<compile_context>
chip_gen: v7x
topology: tpu7x:2x2x1
jax: 0.10.2.dev20260603
libtpu: 0.0.44.dev20260713+nightly
codegen_flags: <defaults>
</compile_context>

<pallas_src>
import functools

import jax
import jax.numpy as jnp
from jax import lax
from jax.experimental import pallas as pl
from jax.experimental.pallas import tpu as pltpu
from jax.experimental.pallas import tpu_sc as plsc

_N = 8192
_K = 8192
_D = 32
_T = 2048
_GRID = _N // _T
_CHUNK = 2048
_DP = 128
_CH = 128


def _vq_tc_body(zsq_ref, cbsq_ref, zt_ref, cbt_ref,
                idx_ref, loss_ref, perp_ref, cbp_ref, hist_ref, dsum_ref):
    i = pl.program_id(0)

    @pl.when(i == 0)
    def _init():
        hist_ref[...] = jnp.zeros_like(hist_ref)
        dsum_ref[0, 0] = 0.0
        cbp_ref[...] = jnp.concatenate(
            [cbt_ref[...].T, jnp.zeros((_K, _DP - _D), jnp.float32)], axis=1)

    zt = zt_ref[...]
    cbt = cbt_ref[...]
    scores = jax.lax.dot_general(
        zt, cbt, (((0,), (0,)), ((), ())),
        preferred_element_type=jnp.float32)
    dist = (zsq_ref[...].T + cbsq_ref[...]) - 2.0 * scores
    col = jax.lax.broadcasted_iota(jnp.int32, (_T, _K), 1)
    acc_bf = acc_f = acc_i = None
    for c in range(0, _K, _CHUNK):
        dc = dist[:, c:c + _CHUNK]
        cc = col[:, c:c + _CHUNK]
        dmin = jnp.min(dc, axis=1, keepdims=True)
        imin = jnp.min(jnp.where(dc == dmin, cc, _K), axis=1)
        dmin = dmin[:, 0]
        if acc_bf is None:
            acc_f, acc_i = dmin, imin
            acc_bf = dmin.astype(jnp.bfloat16).astype(jnp.float32)
        else:
            keep = (acc_bf < dmin) | ((acc_bf == dmin) & (acc_i < imin))
            acc_f = jnp.where(keep, acc_f, dmin)
            acc_i = jnp.where(keep, acc_i, imin)
            acc_bf = jnp.where(keep, acc_bf, dmin)
            acc_bf = acc_bf.astype(jnp.bfloat16).astype(jnp.float32)
    idx = acc_i
    idx_ref[...] = idx
    onehot = jnp.where(col == idx[:, None], 1.0, 0.0)
    hist_ref[...] += jax.lax.dot_general(
        jnp.ones((1, _T), jnp.float32), onehot,
        (((1,), (0,)), ((), ())), preferred_element_type=jnp.float32)
    dsum_ref[0, 0] += jnp.sum(acc_f)

    @pl.when(i == _GRID - 1)
    def _finish():
        loss_ref[0, 0] = 1.25 * dsum_ref[0, 0] / (_N * _D)
        p = hist_ref[...] * (1.0 / _N)
        s = jnp.sum(p * jnp.log(p + 1e-10))
        perp_ref[0, 0] = jnp.exp(-s)


_vq_tc = pl.pallas_call(
    _vq_tc_body,
    grid=(_GRID,),
    in_specs=[
        pl.BlockSpec((1, _T), lambda i: (0, i)),
        pl.BlockSpec((1, _K), lambda i: (0, 0)),
        pl.BlockSpec((_D, _T), lambda i: (0, i)),
        pl.BlockSpec((_D, _K), lambda i: (0, 0)),
    ],
    out_specs=[
        pl.BlockSpec((_T,), lambda i: (i,)),
        pl.BlockSpec((1, 1), lambda i: (0, 0), memory_space=pltpu.SMEM),
        pl.BlockSpec((1, 1), lambda i: (0, 0), memory_space=pltpu.SMEM),
        pl.BlockSpec((_K, _DP), lambda i: (0, 0)),
    ],
    out_shape=[
        jax.ShapeDtypeStruct((_N,), jnp.int32),
        jax.ShapeDtypeStruct((1, 1), jnp.float32),
        jax.ShapeDtypeStruct((1, 1), jnp.float32),
        jax.ShapeDtypeStruct((_K, _DP), jnp.float32),
    ],
    scratch_shapes=[
        pltpu.VMEM((1, _K), jnp.float32),
        pltpu.SMEM((1, 1), jnp.float32),
    ],
    compiler_params=pltpu.CompilerParams(dimension_semantics=("arbitrary",)),
)


@functools.cache
def _make_sc_gather():
    nc, ns = 2, 16
    nw = nc * ns
    b_per_w = _N // nw
    n_ch = b_per_w // _CH
    mesh = plsc.VectorSubcoreMesh(
        core_axis_name="c", subcore_axis_name="s",
        num_cores=nc, num_subcores=ns)

    @functools.partial(
        pl.kernel, mesh=mesh,
        out_type=jax.ShapeDtypeStruct((_N, _DP), jnp.float32),
        scratch_types=[
            pltpu.VMEM((n_ch, _CH), jnp.int32),
            pltpu.VMEM((b_per_w, _DP), jnp.float32),
            pltpu.SemaphoreType.DMA,
        ],
    )
    def _gather(cb_hbm, idx_hbm, out_hbm, idx_v, rows_v, sem):
        wid = lax.axis_index("s") * nc + lax.axis_index("c")
        base = wid * b_per_w
        pltpu.sync_copy(
            idx_hbm.at[pl.ds(wid * n_ch, n_ch)], idx_v)
        for j in range(n_ch):
            pltpu.async_copy(
                cb_hbm.at[idx_v.at[j]],
                rows_v.at[pl.ds(j * _CH, _CH)], sem).wait()
        pltpu.sync_copy(rows_v, out_hbm.at[pl.ds(base, b_per_w)])

    return _gather


def kernel(z_e, codebook):
    zsq = jnp.sum(z_e ** 2, axis=1).reshape(1, _N)
    cbsq = jnp.sum(codebook ** 2, axis=1).reshape(1, _K)
    idx, loss, perp, cb_pad = _vq_tc(zsq, cbsq, z_e.T, codebook.T)
    q_pad = _make_sc_gather()(cb_pad, idx.reshape(_N // _CH, _CH))
    return (loss[0, 0], q_pad[:, :_D], perp[0, 0])

# --- scband reference (transcript-rebuilt; emitter-appended) ---
"""Pipeline reference for scband-model-44049184588238 (READ-ONLY COPY).

The authoritative reference and input builder live on the scoring server;
editing this copy changes nothing except your own understanding.
"""

import jax, jax.numpy as jnp
import numpy as np

NUM_EMBEDDINGS = 8192
EMBEDDING_DIM = 32
COMMITMENT_COST = 0.25
N_TOKENS = 8192


def setup_inputs(seed: int = 0) -> dict:
    key = jax.random.key(seed)
    k1, k2 = jax.random.split(key)
    z_e = jax.random.normal(k1, (N_TOKENS, EMBEDDING_DIM), dtype=jnp.float32)
    # codebook initialized uniform(-1/K, 1/K) as in the torch module
    codebook = jax.random.uniform(
        k2, (NUM_EMBEDDINGS, EMBEDDING_DIM),
        minval=-1.0 / NUM_EMBEDDINGS, maxval=1.0 / NUM_EMBEDDINGS,
        dtype=jnp.float32,
    )
    return {"z_e": z_e, "codebook": codebook}


def reference(z_e, codebook):
    # distances: ||z||^2 + ||e||^2 - 2 z e^T
    distances = (
        jnp.sum(z_e ** 2, axis=1, keepdims=True)
        + jnp.sum(codebook ** 2, axis=1)
        - 2.0 * jnp.matmul(z_e, codebook.T)
    )
    encoding_indices = jnp.argmin(distances, axis=1)
    quantized = jnp.take(codebook, encoding_indices, axis=0)
    commitment_loss = jnp.mean((jax.lax.stop_gradient(quantized) - z_e) ** 2)
    vq_loss = jnp.mean((quantized - jax.lax.stop_gradient(z_e)) ** 2)
    loss = vq_loss + COMMITMENT_COST * commitment_loss
    # straight-through estimator
    quantized_st = z_e + jax.lax.stop_gradient(quantized - z_e)
    encodings = jax.nn.one_hot(encoding_indices, NUM_EMBEDDINGS, dtype=jnp.float32)
    avg_probs = jnp.mean(encodings, axis=0)
    perplexity = jnp.exp(-jnp.sum(avg_probs * jnp.log(avg_probs + 1e-10)))
    return (loss, quantized_st, perplexity)

if __name__ == "__main__":
    import jax
    _d = setup_inputs()
    print(jax.jit(kernel)(*tuple(_d.values())))

</pallas_src>

<mosaic_0001>
#map = affine_map<(d0, d1) -> (0, 0)>
module attributes {stable_mosaic.version = 14 : i64} {
  func.func @_gather(%arg0: i32, %arg1: i32, %arg2: memref<8192x128xf32, #tpu.memory_space<hbm>>, %arg3: memref<64x128xi32, #tpu.memory_space<hbm>>, %arg4: memref<8192x128xf32, #tpu.memory_space<hbm>>, %arg5: memref<2x128xi32, #tpu.memory_space<vmem>>, %arg6: memref<256x128xf32, #tpu.memory_space<vmem>>, %arg7: memref<!tpu.dma_semaphore, #tpu.memory_space<semaphore_mem>>) attributes {dimension_semantics = [#tpu.dimension_semantics<core_parallel>, #tpu.dimension_semantics<subcore_parallel>], iteration_bounds = array<i64: 2, 16>, scalar_prefetch = 0 : i64, scratch_operands = 3 : i64, tpu.core_type = #tpu.core_type<sc_vector_subcore>, window_params = [{transform_indices = #map}, {transform_indices = #map}, {transform_indices = #map}]} {
    %mul3A = arith.constant 2 : i32
    %mul3A_0 = arith.muli %arg1, %mul3A : i32
    %add3A = arith.addi %mul3A_0, %arg0 : i32
    %mul3A_1 = arith.constant 256 : i32
    %mul3A_2 = arith.muli %add3A, %mul3A_1 : i32
    %mul3A_3 = arith.constant 2 : i32
    %mul3A_4 = arith.muli %add3A, %mul3A_3 : i32
    "tpu.region"() ({
      %run_scoped3A = tpu.sem_alloc : memref<!tpu.dma_semaphore, #tpu.memory_space<semaphore_mem>>
      %dma_start3A_43 = arith.constant 0 : i32
      %dma_start3A_44 = tpu.memref_slice %arg3[%mul3A_4, %dma_start3A_43] : memref<64x128xi32, #tpu.memory_space<hbm>> -> memref<2x128xi32, #tpu.memory_space<hbm>>
      %dma_start3A_45 = arith.constant 0 : i32
      %dma_start3A_46 = tpu.memref_slice %arg3[%mul3A_4, %dma_start3A_45] : memref<64x128xi32, #tpu.memory_space<hbm>> -> memref<2x128xi32, #tpu.memory_space<hbm>>
      tpu.enqueue_dma source(%dma_start3A_46 : memref<2x128xi32, #tpu.memory_space<hbm>>) target(%arg5 : memref<2x128xi32, #tpu.memory_space<vmem>>) target_semaphore(%run_scoped3A : memref<!tpu.dma_semaphore, #tpu.memory_space<semaphore_mem>>)
      %dma_wait3A_47 = arith.constant 0 : i32
      %dma_wait3A_48 = tpu.memref_slice %arg3[%mul3A_4, %dma_wait3A_47] : memref<64x128xi32, #tpu.memory_space<hbm>> -> memref<2x128xi32, #tpu.memory_space<hbm>>
      %dma_wait3A_49 = arith.constant 0 : i32
      %dma_wait3A_50 = tpu.memref_slice %arg3[%mul3A_4, %dma_wait3A_49] : memref<64x128xi32, #tpu.memory_space<hbm>> -> memref<2x128xi32, #tpu.memory_space<hbm>>
      tpu.wait_dma2 semaphore(%run_scoped3A : memref<!tpu.dma_semaphore, #tpu.memory_space<semaphore_mem>>) src(%dma_wait3A_50 : memref<2x128xi32, #tpu.memory_space<hbm>>) dst(%arg5 : memref<2x128xi32, #tpu.memory_space<vmem>>)
      tpu.yield
    }) : () -> ()
    %dma_start3A = arith.constant 0 : i32
    %dma_start3A_5 = arith.constant 0 : i32
    %dma_start3A_6 = arith.constant 0 : i32
    %dma_start3A_7 = tpu.memref_slice %arg6[%dma_start3A_5, %dma_start3A_6] : memref<256x128xf32, #tpu.memory_space<vmem>> -> memref<128x128xf32, #tpu.memory_space<vmem>>
    %dma_start3A_8 = arith.constant 0 : i32
    %dma_start3A_9 = tpu.memref_slice %arg5[%dma_start3A, %dma_start3A_8] : memref<2x128xi32, #tpu.memory_space<vmem>> -> memref<1x128xi32, #tpu.memory_space<vmem>>
    %dma_start3A_10 = tpu.memref_squeeze %dma_start3A_9 : memref<1x128xi32, #tpu.memory_space<vmem>> -> memref<128xi32, #tpu.memory_space<vmem>>
    %dma_start3A_11 = arith.constant 0 : i32
    %dma_start3A_12 = arith.constant 0 : i32
    %dma_start3A_13 = tpu.memref_slice %arg2[%dma_start3A_11, %dma_start3A_12] : memref<8192x128xf32, #tpu.memory_space<hbm>> -> memref<8192x128xf32, #tpu.memory_space<hbm>>
    tpu.enqueue_indirect_dma source(%dma_start3A_13 : memref<8192x128xf32, #tpu.memory_space<hbm>>) target(%dma_start3A_7 : memref<128x128xf32, #tpu.memory_space<vmem>>) offsets(%dma_start3A_10 : memref<128xi32, #tpu.memory_space<vmem>>) semaphore(%arg7 : memref<!tpu.dma_semaphore, #tpu.memory_space<semaphore_mem>>)
    %dma_wait3A = arith.constant 0 : i32
    %dma_wait3A_14 = arith.constant 0 : i32
    %dma_wait3A_15 = arith.constant 0 : i32
    %dma_wait3A_16 = tpu.memref_slice %arg6[%dma_wait3A_14, %dma_wait3A_15] : memref<256x128xf32, #tpu.memory_space<vmem>> -> memref<128x128xf32, #tpu.memory_space<vmem>>
    %dma_wait3A_17 = arith.constant 0 : i32
    %dma_wait3A_18 = tpu.memref_slice %arg5[%dma_wait3A, %dma_wait3A_17] : memref<2x128xi32, #tpu.memory_space<vmem>> -> memref<1x128xi32, #tpu.memory_space<vmem>>
    %dma_wait3A_19 = tpu.memref_squeeze %dma_wait3A_18 : memref<1x128xi32, #tpu.memory_space<vmem>> -> memref<128xi32, #tpu.memory_space<vmem>>
    %dma_wait3A_20 = arith.constant 0 : i32
    %dma_wait3A_21 = arith.constant 0 : i32
    %dma_wait3A_22 = tpu.memref_slice %arg2[%dma_wait3A_20, %dma_wait3A_21] : memref<8192x128xf32, #tpu.memory_space<hbm>> -> memref<8192x128xf32, #tpu.memory_space<hbm>>
    tpu.wait_indirect_dma semaphore(%arg7 : memref<!tpu.dma_semaphore, #tpu.memory_space<semaphore_mem>>) src(%dma_wait3A_22 : memref<8192x128xf32, #tpu.memory_space<hbm>>) dst(%dma_wait3A_16 : memref<128x128xf32, #tpu.memory_space<vmem>>)
    %dma_start3A_23 = arith.constant 1 : i32
    %dma_start3A_24 = arith.constant 128 : i32
    %dma_start3A_25 = arith.constant 0 : i32
    %dma_start3A_26 = tpu.memref_slice %arg6[%dma_start3A_24, %dma_start3A_25] : memref<256x128xf32, #tpu.memory_space<vmem>> -> memref<128x128xf32, #tpu.memory_space<vmem>>
    %dma_start3A_27 = arith.constant 0 : i32
    %dma_start3A_28 = tpu.memref_slice %arg5[%dma_start3A_23, %dma_start3A_27] : memref<2x128xi32, #tpu.memory_space<vmem>> -> memref<1x128xi32, #tpu.memory_space<vmem>>
    %dma_start3A_29 = tpu.memref_squeeze %dma_start3A_28 : memref<1x128xi32, #tpu.memory_space<vmem>> -> memref<128xi32, #tpu.memory_space<vmem>>
    %dma_start3A_30 = arith.constant 0 : i32
    %dma_start3A_31 = arith.constant 0 : i32
    %dma_start3A_32 = tpu.memref_slice %arg2[%dma_start3A_30, %dma_start3A_31] : memref<8192x128xf32, #tpu.memory_space<hbm>> -> memref<8192x128xf32, #tpu.memory_space<hbm>>
    tpu.enqueue_indirect_dma source(%dma_start3A_32 : memref<8192x128xf32, #tpu.memory_space<hbm>>) target(%dma_start3A_26 : memref<128x128xf32, #tpu.memory_space<vmem>>) offsets(%dma_start3A_29 : memref<128xi32, #tpu.memory_space<vmem>>) semaphore(%arg7 : memref<!tpu.dma_semaphore, #tpu.memory_space<semaphore_mem>>)
    %dma_wait3A_33 = arith.constant 1 : i32
    %dma_wait3A_34 = arith.constant 128 : i32
    %dma_wait3A_35 = arith.constant 0 : i32
    %dma_wait3A_36 = tpu.memref_slice %arg6[%dma_wait3A_34, %dma_wait3A_35] : memref<256x128xf32, #tpu.memory_space<vmem>> -> memref<128x128xf32, #tpu.memory_space<vmem>>
    %dma_wait3A_37 = arith.constant 0 : i32
    %dma_wait3A_38 = tpu.memref_slice %arg5[%dma_wait3A_33, %dma_wait3A_37] : memref<2x128xi32, #tpu.memory_space<vmem>> -> memref<1x128xi32, #tpu.memory_space<vmem>>
    %dma_wait3A_39 = tpu.memref_squeeze %dma_wait3A_38 : memref<1x128xi32, #tpu.memory_space<vmem>> -> memref<128xi32, #tpu.memory_space<vmem>>
    %dma_wait3A_40 = arith.constant 0 : i32
    %dma_wait3A_41 = arith.constant 0 : i32
    %dma_wait3A_42 = tpu.memref_slice %arg2[%dma_wait3A_40, %dma_wait3A_41] : memref<8192x128xf32, #tpu.memory_space<hbm>> -> memref<8192x128xf32, #tpu.memory_space<hbm>>
    tpu.wait_indirect_dma semaphore(%arg7 : memref<!tpu.dma_semaphore, #tpu.memory_space<semaphore_mem>>) src(%dma_wait3A_42 : memref<8192x128xf32, #tpu.memory_space<hbm>>) dst(%dma_wait3A_36 : memref<128x128xf32, #tpu.memory_space<vmem>>)
    "tpu.region"() ({
      %run_scoped3A = tpu.sem_alloc : memref<!tpu.dma_semaphore, #tpu.memory_space<semaphore_mem>>
      %dma_start3A_43 = arith.constant 0 : i32
      %dma_start3A_44 = tpu.memref_slice %arg4[%mul3A_2, %dma_start3A_43] : memref<8192x128xf32, #tpu.memory_space<hbm>> -> memref<256x128xf32, #tpu.memory_space<hbm>>
      %dma_start3A_45 = arith.constant 0 : i32
      %dma_start3A_46 = tpu.memref_slice %arg4[%mul3A_2, %dma_start3A_45] : memref<8192x128xf32, #tpu.memory_space<hbm>> -> memref<256x128xf32, #tpu.memory_space<hbm>>
      tpu.enqueue_dma source(%arg6 : memref<256x128xf32, #tpu.memory_space<vmem>>) target(%dma_start3A_46 : memref<256x128xf32, #tpu.memory_space<hbm>>) target_semaphore(%run_scoped3A : memref<!tpu.dma_semaphore, #tpu.memory_space<semaphore_mem>>)
      %dma_wait3A_47 = arith.constant 0 : i32
      %dma_wait3A_48 = tpu.memref_slice %arg4[%mul3A_2, %dma_wait3A_47] : memref<8192x128xf32, #tpu.memory_space<hbm>> -> memref<256x128xf32, #tpu.memory_space<hbm>>
      %dma_wait3A_49 = arith.constant 0 : i32
      %dma_wait3A_50 = tpu.memref_slice %arg4[%mul3A_2, %dma_wait3A_49] : memref<8192x128xf32, #tpu.memory_space<hbm>> -> memref<256x128xf32, #tpu.memory_space<hbm>>
      tpu.wait_dma2 semaphore(%run_scoped3A : memref<!tpu.dma_semaphore, #tpu.memory_space<semaphore_mem>>) src(%arg6 : memref<256x128xf32, #tpu.memory_space<vmem>>) dst(%dma_wait3A_50 : memref<256x128xf32, #tpu.memory_space<hbm>>)
      tpu.yield
    }) : () -> ()
    return
  }
}

module attributes {stable_mosaic.version = 14 : i64} {
  func.func @_vq_tc_body(%arg0: i32, %arg1: memref<1x2048xf32, #tpu.memory_space<vmem>>, %arg2: memref<1x8192xf32, #tpu.memory_space<vmem>>, %arg3: memref<32x2048xf32, #tpu.memory_space<vmem>>, %arg4: memref<32x8192xf32, #tpu.memory_space<vmem>>, %arg5: memref<2048xi32, #tpu.memory_space<vmem>>, %arg6: memref<1x1xf32, #tpu.memory_space<smem>>, %arg7: memref<1x1xf32, #tpu.memory_space<smem>>, %arg8: memref<8192x128xf32, #tpu.memory_space<vmem>>, %arg9: memref<1x8192xf32, #tpu.memory_space<vmem>>, %arg10: memref<1x1xf32, #tpu.memory_space<smem>>) attributes {dimension_semantics = [#tpu.dimension_semantics<arbitrary>], iteration_bounds = array<i64: 4>, scalar_prefetch = 0 : i64, scratch_operands = 2 : i64, tpu.core_type = #tpu.core_type<tc>, window_params = [{transform_indices = @transform_0, window_bounds = array<i64: 1, 2048>}, {pipeline_mode = #tpu.pipeline_mode<synchronous>, transform_indices = @transform_1, window_bounds = array<i64: 1, 8192>}, {transform_indices = @transform_2, window_bounds = array<i64: 32, 2048>}, {pipeline_mode = #tpu.pipeline_mode<synchronous>, transform_indices = @transform_3, window_bounds = array<i64: 32, 8192>}, {transform_indices = @transform_4, window_bounds = array<i64: 2048>}, {transform_indices = @transform_5, window_bounds = array<i64: 1, 1>}, {transform_indices = @transform_6, window_bounds = array<i64: 1, 1>}, {pipeline_mode = #tpu.pipeline_mode<synchronous>, transform_indices = @transform_7, window_bounds = array<i64: 8192, 128>}]} {
    %eq3A = arith.constant 0 : i32
    %eq3A_0 = arith.cmpi eq, %arg0, %eq3A : i32
    %convert_element_type3A = arith.extui %eq3A_0 : i1 to i32
    %cond3A = arith.constant 0 : i32
    %cond3A_1 = arith.cmpi ne, %convert_element_type3A, %cond3A : i32
    scf.if %cond3A_1 {
      %broadcast_in_dim3A_126 = arith.constant 0.000000e+00 : f32
      %broadcast_in_dim3A_127 = vector.broadcast %broadcast_in_dim3A_126 : f32 to vector<1x8192xf32>
      %swap3A_128 = arith.constant 0 : index
      %swap3A_129 = arith.constant 0 : index
      %swap3A_130 = vector.load %arg9[%swap3A_128, %swap3A_129] : memref<1x8192xf32, #tpu.memory_space<vmem>>, vector<1x8192xf32>
      tpu.vector_store %arg9[%swap3A_128, %swap3A_129], %broadcast_in_dim3A_127 {strides = array<i32>} : memref<1x8192xf32, #tpu.memory_space<vmem>>, vector<1x8192xf32>,
      %swap3A_131 = arith.constant 0.000000e+00 : f32
      %swap3A_132 = arith.constant 0 : index
      %swap3A_133 = arith.constant 0 : index
      %swap3A_134 = memref.load %arg10[%swap3A_132, %swap3A_133] : memref<1x1xf32, #tpu.memory_space<smem>>
      memref.store %swap3A_131, %arg10[%swap3A_132, %swap3A_133] : memref<1x1xf32, #tpu.memory_space<smem>>
      %get3A_135 = arith.constant 0 : index
      %get3A_136 = arith.constant 0 : index
      %get3A_137 = vector.load %arg4[%get3A_135, %get3A_136] : memref<32x8192xf32, #tpu.memory_space<vmem>>, vector<32x8192xf32>
      %transpose3A_138 = tpu.transpose %get3A_137, [1, 0] : vector<32x8192xf32> -> vector<8192x32xf32>
      %broadcast_in_dim3A_139 = arith.constant 0.000000e+00 : f32
      %broadcast_in_dim3A_140 = vector.broadcast %broadcast_in_dim3A_139 : f32 to vector<8192x96xf32>
      %concatenate3A = tpu.concatenate %transpose3A_138, %broadcast_in_dim3A_140 in 1 : vector<8192x32xf32>, vector<8192x96xf32> -> vector<8192x128xf32>
      %swap3A_141 = arith.constant 0 : index
      %swap3A_142 = arith.constant 0 : index
      %swap3A_143 = vector.load %arg8[%swap3A_141, %swap3A_142] : memref<8192x128xf32, #tpu.memory_space<vmem>>, vector<8192x128xf32>
      tpu.vector_store %arg8[%swap3A_141, %swap3A_142], %concatenate3A {strides = array<i32>} : memref<8192x128xf32, #tpu.memory_space<vmem>>, vector<8192x128xf32>,
    } else {
    }
    %get3A = arith.constant 0 : index
    %get3A_2 = arith.constant 0 : index
    %get3A_3 = vector.load %arg3[%get3A, %get3A_2] : memref<32x2048xf32, #tpu.memory_space<vmem>>, vector<32x2048xf32>
    %get3A_4 = arith.constant 0 : index
    %get3A_5 = arith.constant 0 : index
    %get3A_6 = vector.load %arg4[%get3A_4, %get3A_5] : memref<32x8192xf32, #tpu.memory_space<vmem>>, vector<32x8192xf32>
    %dot_general3A = arith.constant dense<0.000000e+00> : vector<2048x8192xf32>
    %dot_general3A_7 = tpu.matmul %get3A_3, %get3A_6, %dot_general3A {dimension_numbers = #tpu.dot_dimension_numbers<[0], [0], [1], [1], [0, 1, 1, 1], [], []>, transpose_lhs_hint = false} : vector<32x2048xf32>, vector<32x8192xf32>, vector<2048x8192xf32> -> vector<2048x8192xf32>
    %get3A_8 = arith.constant 0 : index
    %get3A_9 = arith.constant 0 : index
    %get3A_10 = vector.load %arg1[%get3A_8, %get3A_9] : memref<1x2048xf32, #tpu.memory_space<vmem>>, vector<1x2048xf32>
    %transpose3A = tpu.transpose %get3A_10, [1, 0] : vector<1x2048xf32> -> vector<2048x1xf32>
    %get3A_11 = arith.constant 0 : index
    %get3A_12 = arith.constant 0 : index
    %get3A_13 = vector.load %arg2[%get3A_11, %get3A_12] : memref<1x8192xf32, #tpu.memory_space<vmem>>, vector<1x8192xf32>
    %add3A = vector.broadcast %transpose3A : vector<2048x1xf32> to vector<2048x8192xf32>
    %add3A_14 = vector.broadcast %get3A_13 : vector<1x8192xf32> to vector<2048x8192xf32>
    %add3A_15 = arith.addf %add3A, %add3A_14 : vector<2048x8192xf32>
    %mul3A = arith.constant 2.000000e+00 : f32
    %mul3A_16 = vector.broadcast %mul3A : f32 to vector<2048x8192xf32>
    %mul3A_17 = arith.mulf %mul3A_16, %dot_general3A_7 : vector<2048x8192xf32>
    %sub3A = arith.subf %add3A_15, %mul3A_17 : vector<2048x8192xf32>
    %iota3A = tpu.iota {dimensions = array<i32: 1>} : vector<2048x8192xi32>
    %slice3A = vector.extract_strided_slice %sub3A {offsets = [0, 0], sizes = [2048, 2048], strides = [1, 1]} : vector<2048x8192xf32> to vector<2048x2048xf32>
    %slice3A_18 = vector.extract_strided_slice %iota3A {offsets = [0, 0], sizes = [2048, 2048], strides = [1, 1]} : vector<2048x8192xi32> to vector<2048x2048xi32>
    %reduce_min3A = arith.constant dense<0x7F800000> : vector<2048xf32>
    %reduce_min3A_19 = vector.multi_reduction <minimumf>, %slice3A, %reduce_min3A [1] : vector<2048x2048xf32> to vector<2048xf32>
    %broadcast_in_dim3A = vector.shape_cast %reduce_min3A_19 : vector<2048xf32> to vector<2048x1xf32>
    %eq3A_20 = vector.broadcast %broadcast_in_dim3A : vector<2048x1xf32> to vector<2048x2048xf32>
    %eq3A_21 = arith.cmpf oeq, %slice3A, %eq3A_20 : vector<2048x2048xf32>
    %jit3A = arith.constant 8192 : i32
    %broadcast_in_dim3A_22 = vector.broadcast %jit3A : i32 to vector<2048x2048xi32>
    %select_n3A = arith.select %eq3A_21, %slice3A_18, %broadcast_in_dim3A_22 : vector<2048x2048xi1>, vector<2048x2048xi32>
    %reduce_min3A_23 = arith.constant dense<2147483647> : vector<2048xi32>
    %reduce_min3A_24 = vector.multi_reduction <minsi>, %select_n3A, %reduce_min3A_23 [1] : vector<2048x2048xi32> to vector<2048xi32>
    %squeeze3A = vector.shape_cast %broadcast_in_dim3A : vector<2048x1xf32> to vector<2048xf32>
    %convert_element_type3A_25 = arith.truncf %squeeze3A : vector<2048xf32> to vector<2048xbf16>
    %convert_element_type3A_26 = arith.extf %convert_element_type3A_25 : vector<2048xbf16> to vector<2048xf32>
    %slice3A_27 = vector.extract_strided_slice %sub3A {offsets = [0, 2048], sizes = [2048, 2048], strides = [1, 1]} : vector<2048x8192xf32> to vector<2048x2048xf32>
    %slice3A_28 = vector.extract_strided_slice %iota3A {offsets = [0, 2048], sizes = [2048, 2048], strides = [1, 1]} : vector<2048x8192xi32> to vector<2048x2048xi32>
    %reduce_min3A_29 = arith.constant dense<0x7F800000> : vector<2048xf32>
    %reduce_min3A_30 = vector.multi_reduction <minimumf>, %slice3A_27, %reduce_min3A_29 [1] : vector<2048x2048xf32> to vector<2048xf32>
    %broadcast_in_dim3A_31 = vector.shape_cast %reduce_min3A_30 : vector<2048xf32> to vector<2048x1xf32>
    %eq3A_32 = vector.broadcast %broadcast_in_dim3A_31 : vector<2048x1xf32> to vector<2048x2048xf32>
    %eq3A_33 = arith.cmpf oeq, %slice3A_27, %eq3A_32 : vector<2048x2048xf32>
    %jit3A_34 = arith.constant 8192 : i32
    %broadcast_in_dim3A_35 = vector.broadcast %jit3A_34 : i32 to vector<2048x2048xi32>
    %select_n3A_36 = arith.select %eq3A_33, %slice3A_28, %broadcast_in_dim3A_35 : vector<2048x2048xi1>, vector<2048x2048xi32>
    %reduce_min3A_37 = arith.constant dense<2147483647> : vector<2048xi32>
    %reduce_min3A_38 = vector.multi_reduction <minsi>, %select_n3A_36, %reduce_min3A_37 [1] : vector<2048x2048xi32> to vector<2048xi32>
    %squeeze3A_39 = vector.shape_cast %broadcast_in_dim3A_31 : vector<2048x1xf32> to vector<2048xf32>
    %lt3A = arith.cmpf olt, %convert_element_type3A_26, %squeeze3A_39 : vector<2048xf32>
    %eq3A_40 = arith.cmpf oeq, %convert_element_type3A_26, %squeeze3A_39 : vector<2048xf32>
    %lt3A_41 = arith.cmpi slt, %reduce_min3A_24, %reduce_min3A_38 : vector<2048xi32>
    %and3A = arith.andi %eq3A_40, %lt3A_41 : vector<2048xi1>
    %or3A = arith.ori %lt3A, %and3A : vector<2048xi1>
    %select_n3A_42 = arith.select %or3A, %squeeze3A, %squeeze3A_39 : vector<2048xi1>, vector<2048xf32>
    %select_n3A_43 = arith.select %or3A, %reduce_min3A_24, %reduce_min3A_38 : vector<2048xi1>, vector<2048xi32>
    %select_n3A_44 = arith.select %or3A, %convert_element_type3A_26, %squeeze3A_39 : vector<2048xi1>, vector<2048xf32>
    %convert_element_type3A_45 = arith.truncf %select_n3A_44 : vector<2048xf32> to vector<2048xbf16>
    %convert_element_type3A_46 = arith.extf %convert_element_type3A_45 : vector<2048xbf16> to vector<2048xf32>
    %slice3A_47 = vector.extract_strided_slice %sub3A {offsets = [0, 4096], sizes = [2048, 2048], strides = [1, 1]} : vector<2048x8192xf32> to vector<2048x2048xf32>
    %slice3A_48 = vector.extract_strided_slice %iota3A {offsets = [0, 4096], sizes = [2048, 2048], strides = [1, 1]} : vector<2048x8192xi32> to vector<2048x2048xi32>
    %reduce_min3A_49 = arith.constant dense<0x7F800000> : vector<2048xf32>
    %reduce_min3A_50 = vector.multi_reduction <minimumf>, %slice3A_47, %reduce_min3A_49 [1] : vector<2048x2048xf32> to vector<2048xf32>
    %broadcast_in_dim3A_51 = vector.shape_cast %reduce_min3A_50 : vector<2048xf32> to vector<2048x1xf32>
    %eq3A_52 = vector.broadcast %broadcast_in_dim3A_51 : vector<2048x1xf32> to vector<2048x2048xf32>
    %eq3A_53 = arith.cmpf oeq, %slice3A_47, %eq3A_52 : vector<2048x2048xf32>
    %jit3A_54 = arith.constant 8192 : i32
    %broadcast_in_dim3A_55 = vector.broadcast %jit3A_54 : i32 to vector<2048x2048xi32>
    %select_n3A_56 = arith.select %eq3A_53, %slice3A_48, %broadcast_in_dim3A_55 : vector<2048x2048xi1>, vector<2048x2048xi32>
    %reduce_min3A_57 = arith.constant dense<2147483647> : vector<2048xi32>
    %reduce_min3A_58 = vector.multi_reduction <minsi>, %select_n3A_56, %reduce_min3A_57 [1] : vector<2048x2048xi32> to vector<2048xi32>
    %squeeze3A_59 = vector.shape_cast %broadcast_in_dim3A_51 : vector<2048x1xf32> to vector<2048xf32>
    %lt3A_60 = arith.cmpf olt, %convert_element_type3A_46, %squeeze3A_59 : vector<2048xf32>
    %eq3A_61 = arith.cmpf oeq, %convert_element_type3A_46, %squeeze3A_59 : vector<2048xf32>
    %lt3A_62 = arith.cmpi slt, %select_n3A_43, %reduce_min3A_58 : vector<2048xi32>
    %and3A_63 = arith.andi %eq3A_61, %lt3A_62 : vector<2048xi1>
    %or3A_64 = arith.ori %lt3A_60, %and3A_63 : vector<2048xi1>
    %select_n3A_65 = arith.select %or3A_64, %select_n3A_42, %squeeze3A_59 : vector<2048xi1>, vector<2048xf32>
    %select_n3A_66 = arith.select %or3A_64, %select_n3A_43, %reduce_min3A_58 : vector<2048xi1>, vector<2048xi32>
    %select_n3A_67 = arith.select %or3A_64, %convert_element_type3A_46, %squeeze3A_59 : vector<2048xi1>, vector<2048xf32>
    %convert_element_type3A_68 = arith.truncf %select_n3A_67 : vector<2048xf32> to vector<2048xbf16>
    %convert_element_type3A_69 = arith.extf %convert_element_type3A_68 : vector<2048xbf16> to vector<2048xf32>
    %slice3A_70 = vector.extract_strided_slice %sub3A {offsets = [0, 6144], sizes = [2048, 2048], strides = [1, 1]} : vector<2048x8192xf32> to vector<2048x2048xf32>
    %slice3A_71 = vector.extract_strided_slice %iota3A {offsets = [0, 6144], sizes = [2048, 2048], strides = [1, 1]} : vector<2048x8192xi32> to vector<2048x2048xi32>
    %reduce_min3A_72 = arith.constant dense<0x7F800000> : vector<2048xf32>
    %reduce_min3A_73 = vector.multi_reduction <minimumf>, %slice3A_70, %reduce_min3A_72 [1] : vector<2048x2048xf32> to vector<2048xf32>
    %broadcast_in_dim3A_74 = vector.shape_cast %reduce_min3A_73 : vector<2048xf32> to vector<2048x1xf32>
    %eq3A_75 = vector.broadcast %broadcast_in_dim3A_74 : vector<2048x1xf32> to vector<2048x2048xf32>
    %eq3A_76 = arith.cmpf oeq, %slice3A_70, %eq3A_75 : vector<2048x2048xf32>
    %jit3A_77 = arith.constant 8192 : i32
    %broadcast_in_dim3A_78 = vector.broadcast %jit3A_77 : i32 to vector<2048x2048xi32>
    %select_n3A_79 = arith.select %eq3A_76, %slice3A_71, %broadcast_in_dim3A_78 : vector<2048x2048xi1>, vector<2048x2048xi32>
    %reduce_min3A_80 = arith.constant dense<2147483647> : vector<2048xi32>
    %reduce_min3A_81 = vector.multi_reduction <minsi>, %select_n3A_79, %reduce_min3A_80 [1] : vector<2048x2048xi32> to vector<2048xi32>
    %squeeze3A_82 = vector.shape_cast %broadcast_in_dim3A_74 : vector<2048x1xf32> to vector<2048xf32>
    %lt3A_83 = arith.cmpf olt, %convert_element_type3A_69, %squeeze3A_82 : vector<2048xf32>
    %eq3A_84 = arith.cmpf oeq, %convert_element_type3A_69, %squeeze3A_82 : vector<2048xf32>
    %lt3A_85 = arith.cmpi slt, %select_n3A_66, %reduce_min3A_81 : vector<2048xi32>
    %and3A_86 = arith.andi %eq3A_84, %lt3A_85 : vector<2048xi1>
    %or3A_87 = arith.ori %lt3A_83, %and3A_86 : vector<2048xi1>
    %select_n3A_88 = arith.select %or3A_87, %select_n3A_65, %squeeze3A_82 : vector<2048xi1>, vector<2048xf32>
    %select_n3A_89 = arith.select %or3A_87, %select_n3A_66, %reduce_min3A_81 : vector<2048xi1>, vector<2048xi32>
    %swap3A = arith.constant 0 : index
    %swap3A_90 = vector.load %arg5[%swap3A] : memref<2048xi32, #tpu.memory_space<vmem>>, vector<2048xi32>
    tpu.vector_store %arg5[%swap3A], %select_n3A_89 {strides = array<i32>} : memref<2048xi32, #tpu.memory_space<vmem>>, vector<2048xi32>,
    %broadcast_in_dim3A_91 = vector.shape_cast %select_n3A_89 : vector<2048xi32> to vector<2048x1xi32>
    %eq3A_92 = vector.broadcast %broadcast_in_dim3A_91 : vector<2048x1xi32> to vector<2048x8192xi32>
    %eq3A_93 = arith.cmpi eq, %iota3A, %eq3A_92 : vector<2048x8192xi32>
    %jit3A_94 = arith.constant 1.000000e+00 : f32
    %jit3A_95 = arith.constant 0.000000e+00 : f32
    %broadcast_in_dim3A_96 = vector.broadcast %jit3A_94 : f32 to vector<2048x8192xf32>
    %broadcast_in_dim3A_97 = vector.broadcast %jit3A_95 : f32 to vector<2048x8192xf32>
    %select_n3A_98 = arith.select %eq3A_93, %broadcast_in_dim3A_96, %broadcast_in_dim3A_97 : vector<2048x8192xi1>, vector<2048x8192xf32>
    %get3A_99 = arith.constant 0 : index
    %get3A_100 = arith.constant 0 : index
    %get3A_101 = vector.load %arg9[%get3A_99, %get3A_100] : memref<1x8192xf32, #tpu.memory_space<vmem>>, vector<1x8192xf32>
    %broadcast_in_dim3A_102 = arith.constant 1.000000e+00 : f32
    %broadcast_in_dim3A_103 = vector.broadcast %broadcast_in_dim3A_102 : f32 to vector<1x2048xf32>
    %dot_general3A_104 = arith.constant dense<0.000000e+00> : vector<1x8192xf32>
    %dot_general3A_105 = tpu.matmul %broadcast_in_dim3A_103, %select_n3A_98, %dot_general3A_104 {dimension_numbers = #tpu.dot_dimension_numbers<[1], [0], [0], [1], [0, 0, 1, 1], [], []>, transpose_lhs_hint = false} : vector<1x2048xf32>, vector<2048x8192xf32>, vector<1x8192xf32> -> vector<1x8192xf32>
    %add3A_106 = arith.addf %get3A_101, %dot_general3A_105 : vector<1x8192xf32>
    %swap3A_107 = arith.constant 0 : index
    %swap3A_108 = arith.constant 0 : index
    %swap3A_109 = vector.load %arg9[%swap3A_107, %swap3A_108] : memref<1x8192xf32, #tpu.memory_space<vmem>>, vector<1x8192xf32>
    tpu.vector_store %arg9[%swap3A_107, %swap3A_108], %add3A_106 {strides = array<i32>} : memref<1x8192xf32, #tpu.memory_space<vmem>>, vector<1x8192xf32>,
    %get3A_110 = arith.constant 0 : index
    %get3A_111 = arith.constant 0 : index
    %get3A_112 = memref.load %arg10[%get3A_110, %get3A_111] : memref<1x1xf32, #tpu.memory_space<smem>>
    %reduce_sum3A = vector.shape_cast %select_n3A_88 : vector<2048xf32> to vector<1x2048xf32>
    %reduce_sum3A_113 = arith.constant dense<0.000000e+00> : vector<1xf32>
    %reduce_sum3A_114 = vector.multi_reduction <add>, %reduce_sum3A, %reduce_sum3A_113 [1] : vector<1x2048xf32> to vector<1xf32>
    %reduce_sum3A_115 = vector.shape_cast %reduce_sum3A_114 : vector<1xf32> to vector<1x1xf32>
    %reduce_sum3A_116 = vector.extract %reduce_sum3A_115[0, 0] : f32 from vector<1x1xf32>
    %add3A_117 = arith.addf %get3A_112, %reduce_sum3A_116 : f32
    %swap3A_118 = arith.constant 0 : index
    %swap3A_119 = arith.constant 0 : index
    %swap3A_120 = memref.load %arg10[%swap3A_118, %swap3A_119] : memref<1x1xf32, #tpu.memory_space<smem>>
    memref.store %add3A_117, %arg10[%swap3A_118, %swap3A_119] : memref<1x1xf32, #tpu.memory_space<smem>>
    %eq3A_121 = arith.constant 3 : i32
    %eq3A_122 = arith.cmpi eq, %arg0, %eq3A_121 : i32
    %convert_element_type3A_123 = arith.extui %eq3A_122 : i1 to i32
    %cond3A_124 = arith.constant 0 : i32
    %cond3A_125 = arith.cmpi ne, %convert_element_type3A_123, %cond3A_124 : i32
    scf.if %cond3A_125 {
      %get3A_126 = arith.constant 0 : index
      %get3A_127 = arith.constant 0 : index
      %get3A_128 = memref.load %arg10[%get3A_126, %get3A_127] : memref<1x1xf32, #tpu.memory_space<smem>>
      %mul3A_129 = arith.constant 1.250000e+00 : f32
      %mul3A_130 = arith.mulf %mul3A_129, %get3A_128 : f32
      %div3A = arith.constant 2.621440e+05 : f32
      %div3A_131 = arith.divf %mul3A_130, %div3A : f32
      %swap3A_132 = arith.constant 0 : index
      %swap3A_133 = arith.constant 0 : index
      %swap3A_134 = memref.load %arg6[%swap3A_132, %swap3A_133] : memref<1x1xf32, #tpu.memory_space<smem>>
      memref.store %div3A_131, %arg6[%swap3A_132, %swap3A_133] : memref<1x1xf32, #tpu.memory_space<smem>>
      %get3A_135 = arith.constant 0 : index
      %get3A_136 = arith.constant 0 : index
      %get3A_137 = vector.load %arg9[%get3A_135, %get3A_136] : memref<1x8192xf32, #tpu.memory_space<vmem>>, vector<1x8192xf32>
      %mul3A_138 = arith.constant 1.22070313E-4 : f32
      %mul3A_139 = vector.broadcast %mul3A_138 : f32 to vector<1x8192xf32>
      %mul3A_140 = arith.mulf %get3A_137, %mul3A_139 : vector<1x8192xf32>
      %add3A_141 = arith.constant 1.000000e-10 : f32
      %add3A_142 = vector.broadcast %add3A_141 : f32 to vector<1x8192xf32>
      %add3A_143 = arith.addf %mul3A_140, %add3A_142 : vector<1x8192xf32>
      %log3A = math.log %add3A_143 : vector<1x8192xf32>
      %mul3A_144 = arith.mulf %mul3A_140, %log3A : vector<1x8192xf32>
      %reduce_sum3A_145 = vector.shape_cast %mul3A_144 : vector<1x8192xf32> to vector<1x1x8192xf32>
      %reduce_sum3A_146 = arith.constant dense<0.000000e+00> : vector<1xf32>
      %reduce_sum3A_147 = vector.multi_reduction <add>, %reduce_sum3A_145, %reduce_sum3A_146 [1, 2] : vector<1x1x8192xf32> to vector<1xf32>
      %reduce_sum3A_148 = vector.shape_cast %reduce_sum3A_147 : vector<1xf32> to vector<1x1x1xf32>
      %reduce_sum3A_149 = vector.extract %reduce_sum3A_148[0, 0, 0] : f32 from vector<1x1x1xf32>
      %neg3A = arith.constant 0.000000e+00 : f32
      %neg3A_150 = arith.subf %neg3A, %reduce_sum3A_149 : f32
      %exp3A = math.exp %neg3A_150 : f32
      %swap3A_151 = arith.constant 0 : index
      %swap3A_152 = arith.constant 0 : index
      %swap3A_153 = memref.load %arg7[%swap3A_151, %swap3A_152] : memref<1x1xf32, #tpu.memory_space<smem>>
      memref.store %exp3A, %arg7[%swap3A_151, %swap3A_152] : memref<1x1xf32, #tpu.memory_space<smem>>
    } else {
    }
    return
  }
  func.func @transform_0(%arg0: i32) -> (i32, i32) {
    %c0_i32 = arith.constant 0 : i32
    %c0_i32_0 = arith.constant 0 : i32
    return %c0_i32, %arg0 : i32, i32
  }
  func.func @transform_1(%arg0: i32) -> (i32, i32) {
    %c0_i32 = arith.constant 0 : i32
    %c0_i32_0 = arith.constant 0 : i32
    %c0_i32_1 = arith.constant 0 : i32
    return %c0_i32, %c0_i32_0 : i32, i32
  }
  func.func @transform_2(%arg0: i32) -> (i32, i32) {
    %c0_i32 = arith.constant 0 : i32
    %c0_i32_0 = arith.constant 0 : i32
    return %c0_i32, %arg0 : i32, i32
  }
  func.func @transform_3(%arg0: i32) -> (i32, i32) {
    %c0_i32 = arith.constant 0 : i32
    %c0_i32_0 = arith.constant 0 : i32
    %c0_i32_1 = arith.constant 0 : i32
    return %c0_i32, %c0_i32_0 : i32, i32
  }
  func.func @transform_4(%arg0: i32) -> i32 {
    %c0_i32 = arith.constant 0 : i32
    return %arg0 : i32
  }
  func.func @transform_5(%arg0: i32) -> (i32, i32) {
    %c0_i32 = arith.constant 0 : i32
    %c0_i32_0 = arith.constant 0 : i32
    %c0_i32_1 = arith.constant 0 : i32
    return %c0_i32, %c0_i32_0 : i32, i32
  }
  func.func @transform_6(%arg0: i32) -> (i32, i32) {
    %c0_i32 = arith.constant 0 : i32
    %c0_i32_0 = arith.constant 0 : i32
    %c0_i32_1 = arith.constant 0 : i32
    return %c0_i32, %c0_i32_0 : i32, i32
  }
  func.func @transform_7(%arg0: i32) -> (i32, i32) {
    %c0_i32 = arith.constant 0 : i32
    %c0_i32_0 = arith.constant 0 : i32
    %c0_i32_1 = arith.constant 0 : i32
    return %c0_i32, %c0_i32_0 : i32, i32
  }
}

</mosaic_0001>

<sc_bundles>
// kernel: kernel.4.cloned.1.call-start
scs
__scs_entry_jumppad:
0x0: {  	(pc) =	sbr.rel $0x88, $3  }
0x1: {  	(tag) =	ssettag $0x0;
	lr =	simm.s32 $0x1  }
0x2: {  	[smem:$0x3F9F] =	sst lr;
	_ =	strace $0xD0000000  }
0x3: {  	_ = 	snop  }
0x4: {  	_ = 	snop  }
0x5: {  	_ = 	snop  }
0x6: {  	_ = 	snop  }
0x7: {  	_ = 	snop  }
__scs_overlays_trampoline_lowered:
0x8: {  	[smem:$0x3FAE] =	sst s0  }
0x9: {  	[smem:$0x3FAF] =	sst s1  }
0xa: {  	[smem:$0x3FB0] =	sst s2  }
0xb: {  	[smem:$0x3FB1] =	sst s3  }
0xc: {  	[smem:$0x3FB2] =	sst s4  }
0xd: {  	[smem:$0x3FB3] =	sst s5  }
0xe: {  	[smem:$0x3FB4] =	sst s6  }
0xf: {  	[smem:$0x3FB5] =	sst s7  }
0x10: {  	[smem:$0x3FB6] =	sst s8  }
0x11: {  	[smem:$0x3FB7] =	sst s9;
	s0 =	simm.s32 @!p0 $0x0  }
0x12: {  	s1 =	sld [smem:$0x3F9D];
	s0 =	simm.s32 @p0 $0x1  }
0x13: {  	[smem:$0x3FB8] =	sst s0;
	s0 =	simm.s32 @!p1 $0x0  }
0x14: {  	s2 =	sld [smem:$0x3F9C];
	s0 =	simm.s32 @p1 $0x1  }
0x15: {  	[smem:$0x3FB9] =	sst s0;
	s0 =	simm.s32 @!p2 $0x0  }
0x16: {  	s3 =	sld [smem:$0x3FDB];
	s0 =	simm.s32 @p2 $0x1  }
0x17: {  	s4 =	simm.s32 $0x1BF5;
	[smem:$0x3FBB] =	sst s0  }
0x18: {  	s0 =	sld [smem:$0x3F9E];
	_ =	swait.ge [sflag:s4], $0x0  }
0x19: {  	s7 =	sld [smem:$0x3F9F]  }
0x1a: {  	s8 =	sadd.s32 $0xFFFFE003, lr  }
0x1b: {  	s9 =	sadd.s32 $0xFFFFFEF7, lr;
	s5 =	simm.s32 $0xFFFFFFFF;
	p2 =	slt.u32 s8, $0xFFFFF086  }
0x1c: {  	p1 =	slt.u32 s9, $0xF7A;
	s5 =	simm.s32 @!p2 $0x0  }
0x1d: {  	s5 =	simm.s32 @p1 $0x1;
	p0 =	seq.s32 s7, s2  }
0x1e: {  	s7 =	smul.u32 @!p0 $0xF7A, s2;
	p2 =	seq.s32 @!p0 s5, $0x0  }
0x1f: {  	s9 =	smul.u32 $0xF7A, s1;
	s8 =	simm.s32 @!p0 $0x1BF5;
	p2 =	por !p2, p0  }
0x20: {  	[sflag:s8] =	ssyncset.s32 @!p0 $0xFFFFF086;
	s6 =	sadd.s32 @!p0 s3, s7;
	s7 =	simm.s32 @!p0 $0x108  }
0x21: {  	s3 =	sadd.s32 s3, s9;
	s6 =	sadd.s32 @!p0 $0x88, s6;
	s7 =	simm.s32 @p2 $0x1082  }
0x22: {  	[simem:s7], [sflag:s8] =	dma.local @!p0 [hbm:s6], $0xF7A  }
0x23: {  	s9 =	sor.u32 $0xD0000000, s2;
	s6 =	simm.s32 $0x108;
	_ =	swait.ge @!p0 [sflag:s8], $0x0  }
0x24: {  	s3 =	sadd.s32 $0x88, s3;
	s6 =	simm.s32 @!p1 $0x1082;
	[sflag:s4] =	ssyncset.s32 $0xFFFFF086  }
0x25: {  	[simem:s6], [sflag:s4] =	dma.local [hbm:s3], $0xF7A  }
0x26: {  	[smem:$0x3F9F] =	sst s1;
	(tag) =	ssettag s2;
	_ =	strace s9  }
0x27: {  	s1 =	sld [smem:$0x3FAF]  }
0x28: {  	s2 =	sld [smem:$0x3FB0]  }
0x29: {  	s4 =	sld [smem:$0x3FB2]  }
0x2a: {  	p0 =	seq.s32 s5, $0x0;
	s5 =	sld [smem:$0x3FB3]  }
0x2b: {  	s6 =	sld [smem:$0x3FB4]  }
0x2c: {  	s7 =	sld [smem:$0x3FB5]  }
0x2d: {  	s3 =	simm.s32 $0x108;
	s8 =	sld [smem:$0x3FB6]  }
0x2e: {  	s3 =	simm.s32 @!p0 $0x1082;
	s9 =	sld [smem:$0x3FB7]  }
0x2f: {  	lr =	sadd.s32 s0, s3;
	s0 =	sld [smem:$0x3FAE]  }
0x30: {  	s3 =	sld [smem:$0x3FB1]  }
0x31: {  	[smem:$0x3FBA] =	sst s10  }
0x32: {  	s10 =	sld [smem:$0x3FB8];
	_ =	sdelay $0x3  }
0x33: {  	p0 =	seq.s32 s10, $0x1;
	s10 =	sld [smem:$0x3FBA];
	_ =	sdelay $0x3  }
0x34: {  	[smem:$0x3FBA] =	sst s10  }
0x35: {  	s10 =	sld [smem:$0x3FB9];
	_ =	sdelay $0x3  }
0x36: {  	p1 =	seq.s32 s10, $0x1;
	s10 =	sld [smem:$0x3FBA];
	_ =	sdelay $0x3  }
0x37: {  	[smem:$0x3FBA] =	sst s10  }
0x38: {  	s10 =	sld [smem:$0x3FBB]  }
0x39: {  	_ = 	snop;
	(pc) =	sbr.ind lr, $3  }
0x3a: {  	_ = 	snop  }
0x3b: {  	_ = 	snop  }
0x3c: {  	p2 =	seq.s32 s10, $0x1;
	s10 =	sld [smem:$0x3FBA]  }
0x3d: {  	_ =	shalt  }
0x3e: {  	_ =	shalt  }
0x3f: {  	_ =	shalt  }
0x40: {  	_ =	shalt  }
0x41: {  	_ =	shalt  }
0x42: {  	_ =	shalt  }
0x43: {  	_ =	shalt  }
0x44: {  	_ =	shalt  }
0x45: {  	_ =	shalt  }
0x46: {  	_ =	shalt  }
0x47: {  	_ =	shalt  }
0x48: {  	_ =	shalt  }
0x49: {  	_ =	shalt  }
0x4a: {  	_ =	shalt  }
0x4b: {  	_ =	shalt  }
0x4c: {  	_ =	shalt  }
0x4d: {  	_ =	shalt  }
0x4e: {  	_ =	shalt  }
0x4f: {  	_ =	shalt  }
0x50: {  	_ =	shalt  }
0x51: {  	_ =	shalt  }
0x52: {  	_ =	shalt  }
0x53: {  	_ =	shalt  }
0x54: {  	_ =	shalt  }
0x55: {  	_ =	shalt  }
0x56: {  	_ =	shalt  }
0x57: {  	_ =	shalt  }
0x58: {  	_ =	shalt  }
0x59: {  	_ =	shalt  }
0x5a: {  	_ =	shalt  }
0x5b: {  	_ =	shalt  }
0x5c: {  	_ =	shalt  }
0x5d: {  	_ =	shalt  }
0x5e: {  	_ =	shalt  }
0x5f: {  	_ =	shalt  }
0x60: {  	_ =	shalt  }
0x61: {  	_ =	shalt  }
0x62: {  	_ =	shalt  }
0x63: {  	_ =	shalt  }
0x64: {  	_ =	shalt  }
0x65: {  	_ =	shalt  }
0x66: {  	_ =	shalt  }
0x67: {  	_ =	shalt  }
0x68: {  	_ =	shalt  }
0x69: {  	_ =	shalt  }
0x6a: {  	_ =	shalt  }
0x6b: {  	_ =	shalt  }
0x6c: {  	_ =	shalt  }
0x6d: {  	_ =	shalt  }
0x6e: {  	_ =	shalt  }
0x6f: {  	_ =	shalt  }
0x70: {  	_ =	shalt  }
0x71: {  	_ =	shalt  }
0x72: {  	_ =	shalt  }
0x73: {  	_ =	shalt  }
0x74: {  	_ =	shalt  }
0x75: {  	_ =	shalt  }
0x76: {  	_ =	shalt  }
0x77: {  	_ =	shalt  }
0x78: {  	_ =	shalt  }
0x79: {  	_ =	shalt  }
0x7a: {  	_ =	shalt  }
0x7b: {  	_ =	shalt  }
0x7c: {  	_ =	shalt  }
0x7d: {  	_ =	shalt  }
0x7e: {  	_ =	shalt  }
0x7f: {  	_ =	shalt  }
0x80: {  	_ =	shalt  }
0x81: {  	_ =	shalt  }
0x82: {  	_ =	shalt  }
0x83: {  	_ =	shalt  }
0x84: {  	_ =	shalt  }
0x85: {  	_ =	shalt  }
0x86: {  	_ =	shalt  }
0x87: {  	_ =	shalt  }
.Lfunc_end0:
.L_simem_size_0:
called_computation_lowered:
.L_overlay_start_0:
0x88: {  	s2 =	sld [smem:$0x3FD9]  }
0x89: {  	s3 =	sld [smem:$0x3FFE];
	_ =	sdelay $0x1  }
0x8a: {  	s1 =	srdreg.scid  }
0x8b: {  	s0 =	sand.u32 $0x1, s1  }
0x8c: {  	s14 =	sshll.u32 s0, $0xA;
	s2 =	sadd.s32 s3, s2  }
0x8d: {  	s2 =	sadd.s32 s2, s14  }
0x8e: {  	[smem:$0x3FC6] =	sst s2  }
0x8f: {  	_ = 	snop  }
0x90: {  	s2 =	sld [smem:$0x3FD0];
	_ =	sdelay $0x2  }
0x91: {  	s15 =	simm.s32 $0xA;
	s4 =	simm.s32 $0x10  }
0x92: {  	[smem:s4], [sflag:s15] =	dma.local [hbm:s2], $0x1  }
0x93: {  	_ =	swait.eq [sflag:s15], $0x1  }
0x94: {  	[sflag:s15] =	ssyncset.done $0x0  }
0x95: {  	[sflag:s15] =	ssyncadd.s32 $0xFFFFFFFF  }
0x96: {  	s16 =	sld [smem:$0x11];
	(tm) =	ssettm $0x1  }
0x97: {  	s17 =	sld [smem:$0x3FFB];
	_ =	sdelay $0x3  }
0x98: {  	_ =	strace s17  }
0x99: {  	s3 =	sld [smem:$0x3FFC];
	_ =	sdelay $0x3  }
0x9a: {  	_ =	strace s3  }
0x9b: {  	s3 =	sld [smem:$0x3FFD];
	_ =	sdelay $0x3  }
0x9c: {  	_ =	strace s3  }
0x9d: {  	_ =	strace $0x8FFFFFFF  }
0x9e: {  	s18 =	sld [smem:$0x3FDB];
	_ =	sdelay $0x1  }
0x9f: {  	s19 =	simm.s32 $_scs_section_size  }
0xa0: {  	s5 =	simm.s32 $_size__tile_overlayer_lowered;
	s6 =	simm.s32 $_tile_overlayer_lowered  }
0xa1: {  	s22 =	simm.s32 $0x1BFF;
	s21 =	sshll.u32 s6, $0x1;
	s3 =	sadd.s32 s19, s18  }
0xa2: {  	s7 =	simm.s32 $0x0;
	s20 =	sshll.u32 s5, $0x1;
	s5 =	sadd.s32 s21, s3  }
0xa3: {  	[timem:s7], [sflag:s22] =	dma.local [hbm:s5], s20  }
0xa4: {  	_ =	swait.ge [sflag:s22], s20  }
0xa5: {  	s4 =	ssub.s32 $0x0, s20;
	[sflag:s22] =	ssyncset.done $0x0  }
0xa6: {  	[sflag:s22] =	ssyncadd.s32 s4;
	_ =	sdelay $0x1  }
0xa7: {  	s23 =	simm.s32 $0x1B8B  }
0xa8: {  	_ =	swait.ge [sflag:s23], $0x1  }
0xa9: {  	[sflag:s23] =	ssyncset.done $0x0  }
0xaa: {  	s25 =	simm.s32 $0x1B8E;
	s24 =	sld [smem:$0x3FFE];
	[sflag:s23] =	ssyncadd.s32 $0xFFFFFFFF  }
0xab: {  	s26 =	simm.s32 $execute0_lowered;
	[smem:$0x3FD2] =	sst s25  }
0xac: {  	s5 =	sshll.u32 s26, $0x1;
	_ =	strace $0x80000046;
	[dreg:$0x1] =	wrdreg $0xFFFFFFFF  }
0xad: {  	s28 =	simm.s32 $_size_execute0_lowered;
	s3 =	sadd.s32 s3, s5;
	[dreg:$0x0] =	wrdreg $0x0  }
0xae: {  	s5 =	sshll.u32 s28, $0x1;
	[dreg:$0x2] =	wrdreg s3  }
0xaf: {  	[dreg:$0x3] =	wrdreg s5  }
0xb0: {  	[dreg:$0x4] =	wrdreg $0xC0  }
0xb1: {  	_ =	task [dreg:s7], $0x5FFFF  }
0xb2: {  	[dreg:$0x1] =	wrdreg $0xFFFFFFFF  }
0xb3: {  	[dreg:$0x0] =	wrdreg $0x60  }
0xb4: {  	[dreg:$0x2] =	wrdreg s24  }
0xb5: {  	[dreg:$0x3] =	wrdreg s16  }
0xb6: {  	[dreg:$0x4] =	wrdreg $0x9  }
0xb7: {  	_ =	task.clear_ibuf [dreg:s7], $0x5FFFF;
	_ =	strace $0x90000046  }
0xb8: {  	s29 =	simm.s32 $0x9;
	_ =	strace $0x80000048  }
0xb9: {  	_ =	swait.ge [sflag:s29], $0x1  }
0xba: {  	[sflag:s29] =	ssyncadd.s32 $0xFFFFFFFF  }
0xbb: {  	_ =	strace $0x90000048  }
0xbc: {  	_ =	sfence  }
0xbd: {  	s30 =	sld [smem:$0x0];
	_ =	sdelay $0x2  }
0xbe: {  	s31 =	sshll.u32 s1, $0xD;
	s1 =	sshrl.u32 s1, $0x2  }
0xbf: {  	s3 =	sand.u32 $0x4000, s31;
	s1 =	sadd.s32 s1, s30  }
0xc0: {  	s0 =	sor.u32 s3, s0;
	s1 =	sshll.u32 s1, $0x11  }
0xc1: {  	s0 =	sor.u32 s1, s0  }
0xc2: {  	s0 =	sadd.s32 $0x8F2B, s0  }
0xc3: {  	[sflag:s0] =	ssyncadd.remote.s32 $0x1  }
0xc4: {  	_ =	sfence.sel $0xFFFF  }
0xc5: {  	[dreg:$0x0] =	wrdreg $0xFFFFFFFF;
	(pc) =	sbr.abs _section_cstart, $3  }
0xc6: {  	[dreg:$0x1] =	wrdreg $0xFFFFFFFF  }
0xc7: {  	_ =	task.clear_ibuf [dreg:s7], $0x2FFFF;
	_ =	strace $0x9FFFFFFF  }
0xc8: {  	(tm) =	ssettm $0x7FFFFFFF  }
0xc9: {  	_ =	shalt  }
tec
execute0_lowered:
.L_overlay_start_1:
0x0: {  	(tag) =	ssettag $0x1  }
0x1: {  	s10 =	rddreg [dreg:$0x0]  }
0x2: {  	s1 =	srdreg.scid;
	s0 =	stileid.u32  }
0x3: {  	s3 =	rddreg [dreg:$0x1];
	s9 =	sand.u32 $0x1, s1;
	s4 =	sshll.u32 s0, $0x1  }
0x4: {  	s2 =	simm.s32 $0x0;
	s1 =	rddreg [dreg:$0x2];
	s11 =	sor.u32 s9, s4  }
0x5: {  	[smem:$0x7FF] =	sst s2;
	s4 =	sshll.u32 s11, $0x5  }
0x6: {  	_ =	strace $0x80000047;
	s4 =	sadd.s32 s3, s4;
	s3 =	simm.s32 $0x2  }
0x7: {  	[tilespmem:s2], [sflag:$0x2] =	stream.linear.gather [hbm4b:s4+s2], $0x100, $0x38;
	[tilespmem:$0x8100] =	vst v63  }
0x8: {  	s6 =	simm.s32 $0x80;
	_ =	swait.ge [sflag:s3], $0x100  }
0x9: {  	s7 =	simm.s32 $0x100;
	s8 =	simm.s32 $0x1;
	[sflag:s3] =	ssyncset.done $0x0  }
0xa: {  	s5 =	sadd.s32 $0x400, s10;
	s12 =	ssub.s32 $0x2, s9;
	[sflag:s3] =	ssyncadd.s32 $0xFFFFFF00  }
0xb: {  	[tilespmem:s7], [sflag:$0x1] =	stream.indirect.gather [hbm4b:s5+s6], $0x80, s2, s6, $0xb8;
	[tilespmem:$0x8100] =	vst v63  }
0xc: {  	s9 =	simm.s32 $0x4100;
	s13 =	sshrl.u32 s12, $0x1;
	_ =	swait.ge [sflag:s8], $0x4000  }
0xd: {  	s11 =	sshll.u32 s11, $0xC;
	s31 =	ssub.s32 s12, s13;
	[sflag:s8] =	ssyncset.done $0x0  }
0xe: {  	s10 =	sadd.s32 s11, s10;
	s11 =	smax.u32 s31, $0x1;
	[sflag:s8] =	ssyncadd.s32 $0xFFFFC000  }
0xf: {  	[tilespmem:s9], [sflag:$0x1] =	stream.indirect.gather [hbm4b:s5+s6], $0x80, s6, s6, $0xb8;
	[tilespmem:$0x8100] =	vst v63  }
0x10: {  	p0 =	sne.s32 s11, $0x1;
	_ =	swait.ge [sflag:s8], $0x4000  }
.Ltmp0:
0x11: {  	[sflag:s8] =	ssyncset.done $0x0;
	(pc) =	sbr.rel @!p0 .LBB2_2-.Ltmp0, $4  }
0x12: {  	s10 =	sadd.s32 $0x20400, s10;
	[sflag:s8] =	ssyncadd.s32 $0xFFFFC000  }
0x13: {  	[hbm4b:s10+s2] =	stream.linear.scatter [tilespmem:s7], [sflag:$0x2], $0x8000, $0x38;
	[tilespmem:$0x8100] =	vst v63  }
0x14: {  	_ =	swait.ge [sflag:s3], $0x8000  }
0x15: {  	s11 =	sadd.s32 $0xFFFFFFFF, s11;
	[sflag:s3] =	ssyncset.done $0x0  }
.LBB2_1:
0x16: {  	p0 =	sne.s32 s11, $0x1;
	s11 =	sadd.s32 $0xFFFFFFFF, s11;
	[sflag:s3] =	ssyncadd.s32 $0xFFFF8000  }
0x17: {  	[tilespmem:s2], [sflag:$0x2] =	stream.linear.gather [hbm4b:s4+s2], $0x100, $0x38;
	[tilespmem:$0x8100] =	vst v63  }
0x18: {  	_ =	swait.ge [sflag:s3], $0x100  }
0x19: {  	[sflag:s3] =	ssyncset.done $0x0  }
0x1a: {  	[sflag:s3] =	ssyncadd.s32 $0xFFFFFF00  }
0x1b: {  	[tilespmem:s7], [sflag:$0x1] =	stream.indirect.gather [hbm4b:s5+s6], $0x80, s2, s6, $0xb8;
	[tilespmem:$0x8100] =	vst v63  }
0x1c: {  	_ =	swait.ge [sflag:s8], $0x4000  }
0x1d: {  	[sflag:s8] =	ssyncset.done $0x0  }
0x1e: {  	[sflag:s8] =	ssyncadd.s32 $0xFFFFC000  }
0x1f: {  	[tilespmem:s9], [sflag:$0x1] =	stream.indirect.gather [hbm4b:s5+s6], $0x80, s6, s6, $0xb8;
	[tilespmem:$0x8100] =	vst v63  }
0x20: {  	_ =	swait.ge [sflag:s8], $0x4000  }
.Ltmp1:
0x21: {  	[sflag:s8] =	ssyncset.done $0x0;
	(pc) =	sbr.rel @p0 .LBB2_1-.Ltmp1, $4  }
0x22: {  	[sflag:s8] =	ssyncadd.s32 $0xFFFFC000  }
0x23: {  	[hbm4b:s10+s2] =	stream.linear.scatter [tilespmem:s7], [sflag:$0x2], $0x8000, $0x38;
	[tilespmem:$0x8100] =	vst v63  }
0x24: {  	_ =	swait.ge [sflag:s3], $0x8000  }
0x25: {  	[sflag:s3] =	ssyncset.done $0x0  }
.LBB2_2:
0x26: {  	[sflag:s3] =	ssyncadd.s32 $0xFFFF8000  }
0x27: {  	_ =	sfence.sel $0x180000  }
0x28: {  	[bflag:$0x0] =	sbarrier.arrive $0xFFFF  }
0x29: {  	p0 =	sne.s32 s0, $0x0;
	_ =	strace $0x90000047  }
0x2a: {  	s0 =	sadd.s32 @!p0 $0x100000, s1;
	[bflag:$0x2] =	sbarrier.arrive $0xFFFF  }
0x2b: {  	[sflag:s0] =	ssyncadd.tile.s32 @!p0 $0x1;
	_ =	shalt  }
.Lfunc_end2:
_tile_overlayer_lowered:
.L_overlay_start_2:
0x2c: {  	(tag) =	ssettag $0x2  }
0x2d: {  	s0 =	rddreg [dreg:$0x0];
	s2 =	stileid.u32  }
0x2e: {  	s1 =	rddreg [dreg:$0x1];
	p0 =	sne.s32 s2, $0x0  }
0x2f: {  	s3 =	rddreg [dreg:$0x2];
	[bflag:$0x3] =	sbarrier.arrive $0xFFFF;
	s2 =	simm.s32 @!p0 $0x1C02  }
0x30: {  	[timem:s3], [sflag:s2] =	dma.local @!p0 [hbm:s0], s1  }
0x31: {  	s0 =	simm.s32 @!p0 $0x2  }
0x32: {  	_ =	swait.ge @!p0 [sflag:s0], s1  }
0x33: {  	s1 =	ssub.s32 @!p0 $0x0, s1;
	[sflag:s0] =	ssyncset.done @!p0 $0x0  }
0x34: {  	[sflag:s0] =	ssyncadd.s32 @!p0 s1  }
0x35: {  	[bflag:$0x3] =	sbarrier.arrive $0xFFFF  }
0x36: {  	_ =	shalt  }

</sc_bundles>
